<compile_context>
chip_gen: v7x
topology: tpu7x:2x2x1
jax: 0.10.2.dev20260603
libtpu: 0.0.44.dev20260713+nightly
codegen_flags: <defaults>
</compile_context>

<pallas_src>
import functools

import jax
import jax.numpy as jnp
from jax import lax
from jax.experimental import pallas as pl
from jax.experimental.pallas import tpu as pltpu
from jax.experimental.pallas import tpu_sc as plsc

_LANES = 16
_RPB = 8


def _sc_gather(table, idxs, V, B, NJ):
    nblk = -(-NJ // _RPB)
    nwork = 3 * nblk
    tail = NJ - (nblk - 1) * _RPB
    NQ = 2
    Q = B // NQ

    mesh = plsc.VectorSubcoreMesh(core_axis_name="c", subcore_axis_name="s",
                                  num_cores=1)

    @functools.partial(
        pl.kernel,
        mesh=mesh,
        compiler_params=pltpu.CompilerParams(use_tc_tiling_on_sc=True),
        out_type=jax.ShapeDtypeStruct((3, NJ, B), jnp.float32),
        scratch_types=[
            pltpu.VMEM((24,), jnp.int32),
            pltpu.VMEM((_RPB, B), jnp.float32),
        ] + [pltpu.SemaphoreType.DMA] * (NQ + 1),
    )
    def k(table_hbm, idx_hbm, out_hbm, jnt_v, rows_v, *sems):
        sem_o = sems[NQ]
        wid = lax.axis_index("s") + lax.axis_index("c")

        @pl.when(wid < nwork)
        def _():
            cidx = lax.shift_right_logical(wid * 21846, 16)
            blk = wid - cidx * 3
            jnt_v[pl.ds(_RPB, _LANES)] = jnp.zeros((_LANES,), jnp.int32)
            pltpu.sync_copy(idx_hbm, jnt_v.at[pl.ds(0, NJ)])
            win = jnt_v.at[pl.ds(blk * _RPB, _RPB)]
            src = table_hbm.at[cidx]
            dst = out_hbm.at[cidx]

            def _move(nrows, row0):
                gathers = [
                    pltpu.async_copy(
                        src.at[win, pl.ds(h * Q, Q)],
                        rows_v.at[pl.ds(0, _RPB), pl.ds(h * Q, Q)], sems[h])
                    for h in range(NQ)
                ]
                outs = []
                for h in range(NQ):
                    gathers[h].wait()
                    outs.append(pltpu.async_copy(
                        rows_v.at[pl.ds(0, nrows), pl.ds(h * Q, Q)],
                        dst.at[pl.ds(row0, nrows), pl.ds(h * Q, Q)], sem_o))
                for o in outs:
                    o.wait()

            @pl.when(blk < nblk - 1)
            def _():
                _move(_RPB, blk * _RPB)

            @pl.when(blk == nblk - 1)
            def _():
                _move(tail, (nblk - 1) * _RPB)

    return k(table, idxs)


def kernel(vertices, extra_joints_idxs):
    B, V, C = vertices.shape
    NJ = extra_joints_idxs.shape[0]
    assert C == 3 and NJ == 21 and B % 256 == 0
    table = jnp.transpose(vertices, (2, 1, 0))
    out_t = _sc_gather(table, extra_joints_idxs.astype(jnp.int32), V, B, NJ)
    return jnp.transpose(out_t, (2, 1, 0))

# --- scband reference (transcript-rebuilt; emitter-appended) ---
"""Pipeline reference for scband-vertex-joint-selector-13460427506312 (READ-ONLY COPY).

The authoritative reference and input builder live on the scoring server;
editing this copy changes nothing except your own understanding.
"""

import jax, jax.numpy as jnp
import numpy as np

VERTEX_IDS = {
    'nose': 9120, 'reye': 9929, 'leye': 9448, 'rear': 616, 'lear': 6,
    'LBigToe': 5770, 'LSmallToe': 5780, 'LHeel': 8846,
    'RBigToe': 8463, 'RSmallToe': 8474, 'RHeel': 8635,
    'lthumb': 5361, 'lindex': 4933, 'lmiddle': 5058, 'lring': 5169, 'lpinky': 5286,
    'rthumb': 8079, 'rindex': 7669, 'rmiddle': 7794, 'rring': 7905, 'rpinky': 8022,
}


def _build_extra_joints_idxs():
    face_keyp_idxs = np.array([VERTEX_IDS['nose'], VERTEX_IDS['reye'],
                               VERTEX_IDS['leye'], VERTEX_IDS['rear'],
                               VERTEX_IDS['lear']], dtype=np.int64)
    feet_keyp_idxs = np.array([VERTEX_IDS['LBigToe'], VERTEX_IDS['LSmallToe'],
                               VERTEX_IDS['LHeel'], VERTEX_IDS['RBigToe'],
                               VERTEX_IDS['RSmallToe'], VERTEX_IDS['RHeel']],
                              dtype=np.int64)
    tip_names = ['thumb', 'index', 'middle', 'ring', 'pinky']
    tips_idxs = []
    for hand_id in ['l', 'r']:
        for tip_name in tip_names:
            tips_idxs.append(VERTEX_IDS[hand_id + tip_name])
    extra_joints_idxs = np.concatenate(
        [face_keyp_idxs, feet_keyp_idxs, np.array(tips_idxs, dtype=np.int64)])
    return jnp.asarray(extra_joints_idxs, dtype=jnp.int32)


def setup_inputs(seed: int = 0) -> dict:
    key = jax.random.key(seed)
    vertices = jax.random.normal(key, (1024, 10475, 3), dtype=jnp.float32)
    extra_joints_idxs = _build_extra_joints_idxs()
    return {"vertices": vertices, "extra_joints_idxs": extra_joints_idxs}


def reference(vertices, extra_joints_idxs):
    # torch.index_select(vertices, 1, idxs) -> gather along axis 1
    extra_joints = jnp.take(vertices, extra_joints_idxs, axis=1)
    return extra_joints

if __name__ == "__main__":
    import jax
    _d = setup_inputs()
    print(jax.jit(kernel)(*tuple(_d.values())))

</pallas_src>

<mosaic_0001>
#map = affine_map<(d0, d1) -> (0, 0, 0)>
#map1 = affine_map<(d0, d1) -> (0)>
module attributes {stable_mosaic.version = 14 : i64} {
  func.func @k(%arg0: i32, %arg1: i32, %arg2: memref<3x10475x1024xf32, #tpu.memory_space<hbm>>, %arg3: memref<21xi32, #tpu.memory_space<hbm>>, %arg4: memref<3x21x1024xf32, #tpu.memory_space<hbm>>, %arg5: memref<24xi32, #tpu.memory_space<vmem>>, %arg6: memref<8x1024xf32, #tpu.memory_space<vmem>>, %arg7: memref<!tpu.dma_semaphore, #tpu.memory_space<semaphore_mem>>, %arg8: memref<!tpu.dma_semaphore, #tpu.memory_space<semaphore_mem>>, %arg9: memref<!tpu.dma_semaphore, #tpu.memory_space<semaphore_mem>>) attributes {dimension_semantics = [#tpu.dimension_semantics<core_parallel>, #tpu.dimension_semantics<subcore_parallel>], iteration_bounds = array<i64: 1, 16>, scalar_prefetch = 0 : i64, scratch_operands = 5 : i64, tpu.core_type = #tpu.core_type<sc_vector_subcore>, window_params = [{transform_indices = #map}, {transform_indices = #map1}, {transform_indices = #map}]} {
    %add3A = arith.addi %arg1, %arg0 : i32
    %lt3A = arith.constant 9 : i32
    %lt3A_0 = arith.cmpi slt, %add3A, %lt3A : i32
    %convert_element_type3A = arith.extui %lt3A_0 : i1 to i32
    %cond3A = arith.constant 0 : i32
    %cond3A_1 = arith.cmpi ne, %convert_element_type3A, %cond3A : i32
    scf.if %cond3A_1 {
      %mul3A = arith.constant 21846 : i32
      %mul3A_2 = arith.muli %add3A, %mul3A : i32
      %shift_right_logical3A = arith.constant 16 : i32
      %shift_right_logical3A_3 = arith.shrui %mul3A_2, %shift_right_logical3A : i32
      %mul3A_4 = arith.constant 3 : i32
      %mul3A_5 = arith.muli %shift_right_logical3A_3, %mul3A_4 : i32
      %sub3A = arith.subi %add3A, %mul3A_5 : i32
      %broadcast_in_dim3A = arith.constant 0 : i32
      %broadcast_in_dim3A_6 = vector.broadcast %broadcast_in_dim3A : i32 to vector<16xi32>
      %swap3A = arith.constant 8 : index
      %swap3A_7 = tpu.vector_load %arg5[%swap3A] {strides = array<i32>} : memref<24xi32, #tpu.memory_space<vmem>>, vector<16xi32>,
      %swap3A_8 = vector.shape_cast %swap3A_7 : vector<16xi32> to vector<16xi32>
      %swap3A_9 = vector.shape_cast %broadcast_in_dim3A_6 : vector<16xi32> to vector<16xi32>
      tpu.vector_store %arg5[%swap3A], %swap3A_9 {strides = array<i32>} : memref<24xi32, #tpu.memory_space<vmem>>, vector<16xi32>,
      "tpu.region"() ({
        %run_scoped3A = tpu.sem_alloc : memref<!tpu.dma_semaphore, #tpu.memory_space<semaphore_mem>>
        %dma_start3A = arith.constant 0 : i32
        %dma_start3A_21 = tpu.memref_slice %arg5[%dma_start3A] : memref<24xi32, #tpu.memory_space<vmem>> -> memref<21xi32, #tpu.memory_space<vmem>>
        %dma_start3A_22 = arith.constant 0 : i32
        %dma_start3A_23 = tpu.memref_slice %arg5[%dma_start3A_22] : memref<24xi32, #tpu.memory_space<vmem>> -> memref<21xi32, #tpu.memory_space<vmem>>
        tpu.enqueue_dma source(%arg3 : memref<21xi32, #tpu.memory_space<hbm>>) target(%dma_start3A_23 : memref<21xi32, #tpu.memory_space<vmem>>) target_semaphore(%run_scoped3A : memref<!tpu.dma_semaphore, #tpu.memory_space<semaphore_mem>>)
        %dma_wait3A = arith.constant 0 : i32
        %dma_wait3A_24 = tpu.memref_slice %arg5[%dma_wait3A] : memref<24xi32, #tpu.memory_space<vmem>> -> memref<21xi32, #tpu.memory_space<vmem>>
        %dma_wait3A_25 = arith.constant 0 : i32
        %dma_wait3A_26 = tpu.memref_slice %arg5[%dma_wait3A_25] : memref<24xi32, #tpu.memory_space<vmem>> -> memref<21xi32, #tpu.memory_space<vmem>>
        tpu.wait_dma2 semaphore(%run_scoped3A : memref<!tpu.dma_semaphore, #tpu.memory_space<semaphore_mem>>) src(%arg3 : memref<21xi32, #tpu.memory_space<hbm>>) dst(%dma_wait3A_26 : memref<21xi32, #tpu.memory_space<vmem>>)
        tpu.yield
      }) : () -> ()
      %mul3A_10 = arith.constant 8 : i32
      %mul3A_11 = arith.muli %sub3A, %mul3A_10 : i32
      %lt3A_12 = arith.constant 2 : i32
      %lt3A_13 = arith.cmpi slt, %sub3A, %lt3A_12 : i32
      %convert_element_type3A_14 = arith.extui %lt3A_13 : i1 to i32
      %cond3A_15 = arith.constant 0 : i32
      %cond3A_16 = arith.cmpi ne, %convert_element_type3A_14, %cond3A_15 : i32
      scf.if %cond3A_16 {
        %mul3A_21 = arith.constant 8 : i32
        %mul3A_22 = arith.muli %sub3A, %mul3A_21 : i32
        %dma_start3A = arith.constant 0 : i32
        %dma_start3A_23 = arith.constant 0 : i32
        %dma_start3A_24 = tpu.memref_slice %arg6[%dma_start3A, %dma_start3A_23] : memref<8x1024xf32, #tpu.memory_space<vmem>> -> memref<8x512xf32, #tpu.memory_space<vmem>>
        %dma_start3A_25 = tpu.memref_slice %arg5[%mul3A_11] : memref<24xi32, #tpu.memory_space<vmem>> -> memref<8xi32, #tpu.memory_space<vmem>>
        %dma_start3A_26 = arith.constant 0 : i32
        %dma_start3A_27 = arith.constant 0 : i32
        %dma_start3A_28 = tpu.memref_slice %arg2[%shift_right_logical3A_3, %dma_start3A_26, %dma_start3A_27] : memref<3x10475x1024xf32, #tpu.memory_space<hbm>> -> memref<1x10475x1024xf32, #tpu.memory_space<hbm>>
        %dma_start3A_29 = tpu.memref_squeeze %dma_start3A_28 : memref<1x10475x1024xf32, #tpu.memory_space<hbm>> -> memref<10475x1024xf32, #tpu.memory_space<hbm>>
        %dma_start3A_30 = arith.constant 0 : i32
        %dma_start3A_31 = arith.constant 0 : i32
        %dma_start3A_32 = tpu.memref_slice %dma_start3A_29[%dma_start3A_30, %dma_start3A_31] : memref<10475x1024xf32, #tpu.memory_space<hbm>> -> memref<10475x512xf32, #tpu.memory_space<hbm>>
        tpu.enqueue_indirect_dma source(%dma_start3A_32 : memref<10475x512xf32, #tpu.memory_space<hbm>>) target(%dma_start3A_24 : memref<8x512xf32, #tpu.memory_space<vmem>>) offsets(%dma_start3A_25 : memref<8xi32, #tpu.memory_space<vmem>>) semaphore(%arg7 : memref<!tpu.dma_semaphore, #tpu.memory_space<semaphore_mem>>)
        %dma_start3A_33 = arith.constant 0 : i32
        %dma_start3A_34 = arith.constant 512 : i32
        %dma_start3A_35 = tpu.memref_slice %arg6[%dma_start3A_33, %dma_start3A_34] : memref<8x1024xf32, #tpu.memory_space<vmem>> -> memref<8x512xf32, #tpu.memory_space<vmem>>
        %dma_start3A_36 = tpu.memref_slice %arg5[%mul3A_11] : memref<24xi32, #tpu.memory_space<vmem>> -> memref<8xi32, #tpu.memory_space<vmem>>
        %dma_start3A_37 = arith.constant 0 : i32
        %dma_start3A_38 = arith.constant 0 : i32
        %dma_start3A_39 = tpu.memref_slice %arg2[%shift_right_logical3A_3, %dma_start3A_37, %dma_start3A_38] : memref<3x10475x1024xf32, #tpu.memory_space<hbm>> -> memref<1x10475x1024xf32, #tpu.memory_space<hbm>>
        %dma_start3A_40 = tpu.memref_squeeze %dma_start3A_39 : memref<1x10475x1024xf32, #tpu.memory_space<hbm>> -> memref<10475x1024xf32, #tpu.memory_space<hbm>>
        %dma_start3A_41 = arith.constant 0 : i32
        %dma_start3A_42 = arith.constant 512 : i32
        %dma_start3A_43 = tpu.memref_slice %dma_start3A_40[%dma_start3A_41, %dma_start3A_42] : memref<10475x1024xf32, #tpu.memory_space<hbm>> -> memref<10475x512xf32, #tpu.memory_space<hbm>>
        tpu.enqueue_indirect_dma source(%dma_start3A_43 : memref<10475x512xf32, #tpu.memory_space<hbm>>) target(%dma_start3A_35 : memref<8x512xf32, #tpu.memory_space<vmem>>) offsets(%dma_start3A_36 : memref<8xi32, #tpu.memory_space<vmem>>) semaphore(%arg8 : memref<!tpu.dma_semaphore, #tpu.memory_space<semaphore_mem>>)
        %dma_wait3A = arith.constant 0 : i32
        %dma_wait3A_44 = arith.constant 0 : i32
        %dma_wait3A_45 = tpu.memref_slice %arg6[%dma_wait3A, %dma_wait3A_44] : memref<8x1024xf32, #tpu.memory_space<vmem>> -> memref<8x512xf32, #tpu.memory_space<vmem>>
        %dma_wait3A_46 = tpu.memref_slice %arg5[%mul3A_11] : memref<24xi32, #tpu.memory_space<vmem>> -> memref<8xi32, #tpu.memory_space<vmem>>
        %dma_wait3A_47 = arith.constant 0 : i32
        %dma_wait3A_48 = arith.constant 0 : i32
        %dma_wait3A_49 = tpu.memref_slice %arg2[%shift_right_logical3A_3, %dma_wait3A_47, %dma_wait3A_48] : memref<3x10475x1024xf32, #tpu.memory_space<hbm>> -> memref<1x10475x1024xf32, #tpu.memory_space<hbm>>
        %dma_wait3A_50 = tpu.memref_squeeze %dma_wait3A_49 : memref<1x10475x1024xf32, #tpu.memory_space<hbm>> -> memref<10475x1024xf32, #tpu.memory_space<hbm>>
        %dma_wait3A_51 = arith.constant 0 : i32
        %dma_wait3A_52 = arith.constant 0 : i32
        %dma_wait3A_53 = tpu.memref_slice %dma_wait3A_50[%dma_wait3A_51, %dma_wait3A_52] : memref<10475x1024xf32, #tpu.memory_space<hbm>> -> memref<10475x512xf32, #tpu.memory_space<hbm>>
        tpu.wait_indirect_dma semaphore(%arg7 : memref<!tpu.dma_semaphore, #tpu.memory_space<semaphore_mem>>) src(%dma_wait3A_53 : memref<10475x512xf32, #tpu.memory_space<hbm>>) dst(%dma_wait3A_45 : memref<8x512xf32, #tpu.memory_space<vmem>>)
        %dma_start3A_54 = arith.constant 0 : i32
        %dma_start3A_55 = arith.constant 0 : i32
        %dma_start3A_56 = tpu.memref_slice %arg6[%dma_start3A_54, %dma_start3A_55] : memref<8x1024xf32, #tpu.memory_space<vmem>> -> memref<8x512xf32, #tpu.memory_space<vmem>>
        %dma_start3A_57 = arith.constant 0 : i32
        %dma_start3A_58 = arith.constant 0 : i32
        %dma_start3A_59 = tpu.memref_slice %arg4[%shift_right_logical3A_3, %dma_start3A_57, %dma_start3A_58] : memref<3x21x1024xf32, #tpu.memory_space<hbm>> -> memref<1x21x1024xf32, #tpu.memory_space<hbm>>
        %dma_start3A_60 = tpu.memref_squeeze %dma_start3A_59 : memref<1x21x1024xf32, #tpu.memory_space<hbm>> -> memref<21x1024xf32, #tpu.memory_space<hbm>>
        %dma_start3A_61 = arith.constant 0 : i32
        %dma_start3A_62 = tpu.memref_slice %dma_start3A_60[%mul3A_22, %dma_start3A_61] : memref<21x1024xf32, #tpu.memory_space<hbm>> -> memref<8x512xf32, #tpu.memory_space<hbm>>
        %dma_start3A_63 = arith.constant 0 : i32
        %dma_start3A_64 = arith.constant 0 : i32
        %dma_start3A_65 = tpu.memref_slice %arg4[%shift_right_logical3A_3, %dma_start3A_63, %dma_start3A_64] : memref<3x21x1024xf32, #tpu.memory_space<hbm>> -> memref<1x21x1024xf32, #tpu.memory_space<hbm>>
        %dma_start3A_66 = tpu.memref_squeeze %dma_start3A_65 : memref<1x21x1024xf32, #tpu.memory_space<hbm>> -> memref<21x1024xf32, #tpu.memory_space<hbm>>
        %dma_start3A_67 = arith.constant 0 : i32
        %dma_start3A_68 = tpu.memref_slice %dma_start3A_66[%mul3A_22, %dma_start3A_67] : memref<21x1024xf32, #tpu.memory_space<hbm>> -> memref<8x512xf32, #tpu.memory_space<hbm>>
        %dma_start3A_69 = arith.constant 0 : i32
        %dma_start3A_70 = arith.constant 0 : i32
        %dma_start3A_71 = tpu.memref_slice %arg6[%dma_start3A_69, %dma_start3A_70] : memref<8x1024xf32, #tpu.memory_space<vmem>> -> memref<8x512xf32, #tpu.memory_space<vmem>>
        tpu.enqueue_dma source(%dma_start3A_71 : memref<8x512xf32, #tpu.memory_space<vmem>>) target(%dma_start3A_68 : memref<8x512xf32, #tpu.memory_space<hbm>>) target_semaphore(%arg9 : memref<!tpu.dma_semaphore, #tpu.memory_space<semaphore_mem>>)
        %dma_wait3A_72 = arith.constant 0 : i32
        %dma_wait3A_73 = arith.constant 512 : i32
        %dma_wait3A_74 = tpu.memref_slice %arg6[%dma_wait3A_72, %dma_wait3A_73] : memref<8x1024xf32, #tpu.memory_space<vmem>> -> memref<8x512xf32, #tpu.memory_space<vmem>>
        %dma_wait3A_75 = tpu.memref_slice %arg5[%mul3A_11] : memref<24xi32, #tpu.memory_space<vmem>> -> memref<8xi32, #tpu.memory_space<vmem>>
        %dma_wait3A_76 = arith.constant 0 : i32
        %dma_wait3A_77 = arith.constant 0 : i32
        %dma_wait3A_78 = tpu.memref_slice %arg2[%shift_right_logical3A_3, %dma_wait3A_76, %dma_wait3A_77] : memref<3x10475x1024xf32, #tpu.memory_space<hbm>> -> memref<1x10475x1024xf32, #tpu.memory_space<hbm>>
        %dma_wait3A_79 = tpu.memref_squeeze %dma_wait3A_78 : memref<1x10475x1024xf32, #tpu.memory_space<hbm>> -> memref<10475x1024xf32, #tpu.memory_space<hbm>>
        %dma_wait3A_80 = arith.constant 0 : i32
        %dma_wait3A_81 = arith.constant 512 : i32
        %dma_wait3A_82 = tpu.memref_slice %dma_wait3A_79[%dma_wait3A_80, %dma_wait3A_81] : memref<10475x1024xf32, #tpu.memory_space<hbm>> -> memref<10475x512xf32, #tpu.memory_space<hbm>>
        tpu.wait_indirect_dma semaphore(%arg8 : memref<!tpu.dma_semaphore, #tpu.memory_space<semaphore_mem>>) src(%dma_wait3A_82 : memref<10475x512xf32, #tpu.memory_space<hbm>>) dst(%dma_wait3A_74 : memref<8x512xf32, #tpu.memory_space<vmem>>)
        %dma_start3A_83 = arith.constant 0 : i32
        %dma_start3A_84 = arith.constant 512 : i32
        %dma_start3A_85 = tpu.memref_slice %arg6[%dma_start3A_83, %dma_start3A_84] : memref<8x1024xf32, #tpu.memory_space<vmem>> -> memref<8x512xf32, #tpu.memory_space<vmem>>
        %dma_start3A_86 = arith.constant 0 : i32
        %dma_start3A_87 = arith.constant 0 : i32
        %dma_start3A_88 = tpu.memref_slice %arg4[%shift_right_logical3A_3, %dma_start3A_86, %dma_start3A_87] : memref<3x21x1024xf32, #tpu.memory_space<hbm>> -> memref<1x21x1024xf32, #tpu.memory_space<hbm>>
        %dma_start3A_89 = tpu.memref_squeeze %dma_start3A_88 : memref<1x21x1024xf32, #tpu.memory_space<hbm>> -> memref<21x1024xf32, #tpu.memory_space<hbm>>
        %dma_start3A_90 = arith.constant 512 : i32
        %dma_start3A_91 = tpu.memref_slice %dma_start3A_89[%mul3A_22, %dma_start3A_90] : memref<21x1024xf32, #tpu.memory_space<hbm>> -> memref<8x512xf32, #tpu.memory_space<hbm>>
        %dma_start3A_92 = arith.constant 0 : i32
        %dma_start3A_93 = arith.constant 0 : i32
        %dma_start3A_94 = tpu.memref_slice %arg4[%shift_right_logical3A_3, %dma_start3A_92, %dma_start3A_93] : memref<3x21x1024xf32, #tpu.memory_space<hbm>> -> memref<1x21x1024xf32, #tpu.memory_space<hbm>>
        %dma_start3A_95 = tpu.memref_squeeze %dma_start3A_94 : memref<1x21x1024xf32, #tpu.memory_space<hbm>> -> memref<21x1024xf32, #tpu.memory_space<hbm>>
        %dma_start3A_96 = arith.constant 512 : i32
        %dma_start3A_97 = tpu.memref_slice %dma_start3A_95[%mul3A_22, %dma_start3A_96] : memref<21x1024xf32, #tpu.memory_space<hbm>> -> memref<8x512xf32, #tpu.memory_space<hbm>>
        %dma_start3A_98 = arith.constant 0 : i32
        %dma_start3A_99 = arith.constant 512 : i32
        %dma_start3A_100 = tpu.memref_slice %arg6[%dma_start3A_98, %dma_start3A_99] : memref<8x1024xf32, #tpu.memory_space<vmem>> -> memref<8x512xf32, #tpu.memory_space<vmem>>
        tpu.enqueue_dma source(%dma_start3A_100 : memref<8x512xf32, #tpu.memory_space<vmem>>) target(%dma_start3A_97 : memref<8x512xf32, #tpu.memory_space<hbm>>) target_semaphore(%arg9 : memref<!tpu.dma_semaphore, #tpu.memory_space<semaphore_mem>>)
        %dma_wait3A_101 = arith.constant 0 : i32
        %dma_wait3A_102 = arith.constant 0 : i32
        %dma_wait3A_103 = tpu.memref_slice %arg6[%dma_wait3A_101, %dma_wait3A_102] : memref<8x1024xf32, #tpu.memory_space<vmem>> -> memref<8x512xf32, #tpu.memory_space<vmem>>
        %dma_wait3A_104 = arith.constant 0 : i32
        %dma_wait3A_105 = arith.constant 0 : i32
        %dma_wait3A_106 = tpu.memref_slice %arg4[%shift_right_logical3A_3, %dma_wait3A_104, %dma_wait3A_105] : memref<3x21x1024xf32, #tpu.memory_space<hbm>> -> memref<1x21x1024xf32, #tpu.memory_space<hbm>>
        %dma_wait3A_107 = tpu.memref_squeeze %dma_wait3A_106 : memref<1x21x1024xf32, #tpu.memory_space<hbm>> -> memref<21x1024xf32, #tpu.memory_space<hbm>>
        %dma_wait3A_108 = arith.constant 0 : i32
        %dma_wait3A_109 = tpu.memref_slice %dma_wait3A_107[%mul3A_22, %dma_wait3A_108] : memref<21x1024xf32, #tpu.memory_space<hbm>> -> memref<8x512xf32, #tpu.memory_space<hbm>>
        %dma_wait3A_110 = arith.constant 0 : i32
        %dma_wait3A_111 = arith.constant 0 : i32
        %dma_wait3A_112 = tpu.memref_slice %arg4[%shift_right_logical3A_3, %dma_wait3A_110, %dma_wait3A_111] : memref<3x21x1024xf32, #tpu.memory_space<hbm>> -> memref<1x21x1024xf32, #tpu.memory_space<hbm>>
        %dma_wait3A_113 = tpu.memref_squeeze %dma_wait3A_112 : memref<1x21x1024xf32, #tpu.memory_space<hbm>> -> memref<21x1024xf32, #tpu.memory_space<hbm>>
        %dma_wait3A_114 = arith.constant 0 : i32
        %dma_wait3A_115 = tpu.memref_slice %dma_wait3A_113[%mul3A_22, %dma_wait3A_114] : memref<21x1024xf32, #tpu.memory_space<hbm>> -> memref<8x512xf32, #tpu.memory_space<hbm>>
        %dma_wait3A_116 = arith.constant 0 : i32
        %dma_wait3A_117 = arith.constant 0 : i32
        %dma_wait3A_118 = tpu.memref_slice %arg6[%dma_wait3A_116, %dma_wait3A_117] : memref<8x1024xf32, #tpu.memory_space<vmem>> -> memref<8x512xf32, #tpu.memory_space<vmem>>
        tpu.wait_dma2 semaphore(%arg9 : memref<!tpu.dma_semaphore, #tpu.memory_space<semaphore_mem>>) src(%dma_wait3A_118 : memref<8x512xf32, #tpu.memory_space<vmem>>) dst(%dma_wait3A_115 : memref<8x512xf32, #tpu.memory_space<hbm>>)
        %dma_wait3A_119 = arith.constant 0 : i32
        %dma_wait3A_120 = arith.constant 512 : i32
        %dma_wait3A_121 = tpu.memref_slice %arg6[%dma_wait3A_119, %dma_wait3A_120] : memref<8x1024xf32, #tpu.memory_space<vmem>> -> memref<8x512xf32, #tpu.memory_space<vmem>>
        %dma_wait3A_122 = arith.constant 0 : i32
        %dma_wait3A_123 = arith.constant 0 : i32
        %dma_wait3A_124 = tpu.memref_slice %arg4[%shift_right_logical3A_3, %dma_wait3A_122, %dma_wait3A_123] : memref<3x21x1024xf32, #tpu.memory_space<hbm>> -> memref<1x21x1024xf32, #tpu.memory_space<hbm>>
        %dma_wait3A_125 = tpu.memref_squeeze %dma_wait3A_124 : memref<1x21x1024xf32, #tpu.memory_space<hbm>> -> memref<21x1024xf32, #tpu.memory_space<hbm>>
        %dma_wait3A_126 = arith.constant 512 : i32
        %dma_wait3A_127 = tpu.memref_slice %dma_wait3A_125[%mul3A_22, %dma_wait3A_126] : memref<21x1024xf32, #tpu.memory_space<hbm>> -> memref<8x512xf32, #tpu.memory_space<hbm>>
        %dma_wait3A_128 = arith.constant 0 : i32
        %dma_wait3A_129 = arith.constant 0 : i32
        %dma_wait3A_130 = tpu.memref_slice %arg4[%shift_right_logical3A_3, %dma_wait3A_128, %dma_wait3A_129] : memref<3x21x1024xf32, #tpu.memory_space<hbm>> -> memref<1x21x1024xf32, #tpu.memory_space<hbm>>
        %dma_wait3A_131 = tpu.memref_squeeze %dma_wait3A_130 : memref<1x21x1024xf32, #tpu.memory_space<hbm>> -> memref<21x1024xf32, #tpu.memory_space<hbm>>
        %dma_wait3A_132 = arith.constant 512 : i32
        %dma_wait3A_133 = tpu.memref_slice %dma_wait3A_131[%mul3A_22, %dma_wait3A_132] : memref<21x1024xf32, #tpu.memory_space<hbm>> -> memref<8x512xf32, #tpu.memory_space<hbm>>
        %dma_wait3A_134 = arith.constant 0 : i32
        %dma_wait3A_135 = arith.constant 512 : i32
        %dma_wait3A_136 = tpu.memref_slice %arg6[%dma_wait3A_134, %dma_wait3A_135] : memref<8x1024xf32, #tpu.memory_space<vmem>> -> memref<8x512xf32, #tpu.memory_space<vmem>>
        tpu.wait_dma2 semaphore(%arg9 : memref<!tpu.dma_semaphore, #tpu.memory_space<semaphore_mem>>) src(%dma_wait3A_136 : memref<8x512xf32, #tpu.memory_space<vmem>>) dst(%dma_wait3A_133 : memref<8x512xf32, #tpu.memory_space<hbm>>)
      } else {
      }
      %eq3A = arith.constant 2 : i32
      %eq3A_17 = arith.cmpi eq, %sub3A, %eq3A : i32
      %convert_element_type3A_18 = arith.extui %eq3A_17 : i1 to i32
      %cond3A_19 = arith.constant 0 : i32
      %cond3A_20 = arith.cmpi ne, %convert_element_type3A_18, %cond3A_19 : i32
      scf.if %cond3A_20 {
        %dma_start3A = arith.constant 0 : i32
        %dma_start3A_21 = arith.constant 0 : i32
        %dma_start3A_22 = tpu.memref_slice %arg6[%dma_start3A, %dma_start3A_21] : memref<8x1024xf32, #tpu.memory_space<vmem>> -> memref<8x512xf32, #tpu.memory_space<vmem>>
        %dma_start3A_23 = tpu.memref_slice %arg5[%mul3A_11] : memref<24xi32, #tpu.memory_space<vmem>> -> memref<8xi32, #tpu.memory_space<vmem>>
        %dma_start3A_24 = arith.constant 0 : i32
        %dma_start3A_25 = arith.constant 0 : i32
        %dma_start3A_26 = tpu.memref_slice %arg2[%shift_right_logical3A_3, %dma_start3A_24, %dma_start3A_25] : memref<3x10475x1024xf32, #tpu.memory_space<hbm>> -> memref<1x10475x1024xf32, #tpu.memory_space<hbm>>
        %dma_start3A_27 = tpu.memref_squeeze %dma_start3A_26 : memref<1x10475x1024xf32, #tpu.memory_space<hbm>> -> memref<10475x1024xf32, #tpu.memory_space<hbm>>
        %dma_start3A_28 = arith.constant 0 : i32
        %dma_start3A_29 = arith.constant 0 : i32
        %dma_start3A_30 = tpu.memref_slice %dma_start3A_27[%dma_start3A_28, %dma_start3A_29] : memref<10475x1024xf32, #tpu.memory_space<hbm>> -> memref<10475x512xf32, #tpu.memory_space<hbm>>
        tpu.enqueue_indirect_dma source(%dma_start3A_30 : memref<10475x512xf32, #tpu.memory_space<hbm>>) target(%dma_start3A_22 : memref<8x512xf32, #tpu.memory_space<vmem>>) offsets(%dma_start3A_23 : memref<8xi32, #tpu.memory_space<vmem>>) semaphore(%arg7 : memref<!tpu.dma_semaphore, #tpu.memory_space<semaphore_mem>>)
        %dma_start3A_31 = arith.constant 0 : i32
        %dma_start3A_32 = arith.constant 512 : i32
        %dma_start3A_33 = tpu.memref_slice %arg6[%dma_start3A_31, %dma_start3A_32] : memref<8x1024xf32, #tpu.memory_space<vmem>> -> memref<8x512xf32, #tpu.memory_space<vmem>>
        %dma_start3A_34 = tpu.memref_slice %arg5[%mul3A_11] : memref<24xi32, #tpu.memory_space<vmem>> -> memref<8xi32, #tpu.memory_space<vmem>>
        %dma_start3A_35 = arith.constant 0 : i32
        %dma_start3A_36 = arith.constant 0 : i32
        %dma_start3A_37 = tpu.memref_slice %arg2[%shift_right_logical3A_3, %dma_start3A_35, %dma_start3A_36] : memref<3x10475x1024xf32, #tpu.memory_space<hbm>> -> memref<1x10475x1024xf32, #tpu.memory_space<hbm>>
        %dma_start3A_38 = tpu.memref_squeeze %dma_start3A_37 : memref<1x10475x1024xf32, #tpu.memory_space<hbm>> -> memref<10475x1024xf32, #tpu.memory_space<hbm>>
        %dma_start3A_39 = arith.constant 0 : i32
        %dma_start3A_40 = arith.constant 512 : i32
        %dma_start3A_41 = tpu.memref_slice %dma_start3A_38[%dma_start3A_39, %dma_start3A_40] : memref<10475x1024xf32, #tpu.memory_space<hbm>> -> memref<10475x512xf32, #tpu.memory_space<hbm>>
        tpu.enqueue_indirect_dma source(%dma_start3A_41 : memref<10475x512xf32, #tpu.memory_space<hbm>>) target(%dma_start3A_33 : memref<8x512xf32, #tpu.memory_space<vmem>>) offsets(%dma_start3A_34 : memref<8xi32, #tpu.memory_space<vmem>>) semaphore(%arg8 : memref<!tpu.dma_semaphore, #tpu.memory_space<semaphore_mem>>)
        %dma_wait3A = arith.constant 0 : i32
        %dma_wait3A_42 = arith.constant 0 : i32
        %dma_wait3A_43 = tpu.memref_slice %arg6[%dma_wait3A, %dma_wait3A_42] : memref<8x1024xf32, #tpu.memory_space<vmem>> -> memref<8x512xf32, #tpu.memory_space<vmem>>
        %dma_wait3A_44 = tpu.memref_slice %arg5[%mul3A_11] : memref<24xi32, #tpu.memory_space<vmem>> -> memref<8xi32, #tpu.memory_space<vmem>>
        %dma_wait3A_45 = arith.constant 0 : i32
        %dma_wait3A_46 = arith.constant 0 : i32
        %dma_wait3A_47 = tpu.memref_slice %arg2[%shift_right_logical3A_3, %dma_wait3A_45, %dma_wait3A_46] : memref<3x10475x1024xf32, #tpu.memory_space<hbm>> -> memref<1x10475x1024xf32, #tpu.memory_space<hbm>>
        %dma_wait3A_48 = tpu.memref_squeeze %dma_wait3A_47 : memref<1x10475x1024xf32, #tpu.memory_space<hbm>> -> memref<10475x1024xf32, #tpu.memory_space<hbm>>
        %dma_wait3A_49 = arith.constant 0 : i32
        %dma_wait3A_50 = arith.constant 0 : i32
        %dma_wait3A_51 = tpu.memref_slice %dma_wait3A_48[%dma_wait3A_49, %dma_wait3A_50] : memref<10475x1024xf32, #tpu.memory_space<hbm>> -> memref<10475x512xf32, #tpu.memory_space<hbm>>
        tpu.wait_indirect_dma semaphore(%arg7 : memref<!tpu.dma_semaphore, #tpu.memory_space<semaphore_mem>>) src(%dma_wait3A_51 : memref<10475x512xf32, #tpu.memory_space<hbm>>) dst(%dma_wait3A_43 : memref<8x512xf32, #tpu.memory_space<vmem>>)
        %dma_start3A_52 = arith.constant 0 : i32
        %dma_start3A_53 = arith.constant 0 : i32
        %dma_start3A_54 = tpu.memref_slice %arg6[%dma_start3A_52, %dma_start3A_53] : memref<8x1024xf32, #tpu.memory_space<vmem>> -> memref<5x512xf32, #tpu.memory_space<vmem>>
        %dma_start3A_55 = arith.constant 0 : i32
        %dma_start3A_56 = arith.constant 0 : i32
        %dma_start3A_57 = tpu.memref_slice %arg4[%shift_right_logical3A_3, %dma_start3A_55, %dma_start3A_56] : memref<3x21x1024xf32, #tpu.memory_space<hbm>> -> memref<1x21x1024xf32, #tpu.memory_space<hbm>>
        %dma_start3A_58 = tpu.memref_squeeze %dma_start3A_57 : memref<1x21x1024xf32, #tpu.memory_space<hbm>> -> memref<21x1024xf32, #tpu.memory_space<hbm>>
        %dma_start3A_59 = arith.constant 16 : i32
        %dma_start3A_60 = arith.constant 0 : i32
        %dma_start3A_61 = tpu.memref_slice %dma_start3A_58[%dma_start3A_59, %dma_start3A_60] : memref<21x1024xf32, #tpu.memory_space<hbm>> -> memref<5x512xf32, #tpu.memory_space<hbm>>
        %dma_start3A_62 = arith.constant 0 : i32
        %dma_start3A_63 = arith.constant 0 : i32
        %dma_start3A_64 = tpu.memref_slice %arg4[%shift_right_logical3A_3, %dma_start3A_62, %dma_start3A_63] : memref<3x21x1024xf32, #tpu.memory_space<hbm>> -> memref<1x21x1024xf32, #tpu.memory_space<hbm>>
        %dma_start3A_65 = tpu.memref_squeeze %dma_start3A_64 : memref<1x21x1024xf32, #tpu.memory_space<hbm>> -> memref<21x1024xf32, #tpu.memory_space<hbm>>
        %dma_start3A_66 = arith.constant 16 : i32
        %dma_start3A_67 = arith.constant 0 : i32
        %dma_start3A_68 = tpu.memref_slice %dma_start3A_65[%dma_start3A_66, %dma_start3A_67] : memref<21x1024xf32, #tpu.memory_space<hbm>> -> memref<5x512xf32, #tpu.memory_space<hbm>>
        %dma_start3A_69 = arith.constant 0 : i32
        %dma_start3A_70 = arith.constant 0 : i32
        %dma_start3A_71 = tpu.memref_slice %arg6[%dma_start3A_69, %dma_start3A_70] : memref<8x1024xf32, #tpu.memory_space<vmem>> -> memref<5x512xf32, #tpu.memory_space<vmem>>
        tpu.enqueue_dma source(%dma_start3A_71 : memref<5x512xf32, #tpu.memory_space<vmem>>) target(%dma_start3A_68 : memref<5x512xf32, #tpu.memory_space<hbm>>) target_semaphore(%arg9 : memref<!tpu.dma_semaphore, #tpu.memory_space<semaphore_mem>>)
        %dma_wait3A_72 = arith.constant 0 : i32
        %dma_wait3A_73 = arith.constant 512 : i32
        %dma_wait3A_74 = tpu.memref_slice %arg6[%dma_wait3A_72, %dma_wait3A_73] : memref<8x1024xf32, #tpu.memory_space<vmem>> -> memref<8x512xf32, #tpu.memory_space<vmem>>
        %dma_wait3A_75 = tpu.memref_slice %arg5[%mul3A_11] : memref<24xi32, #tpu.memory_space<vmem>> -> memref<8xi32, #tpu.memory_space<vmem>>
        %dma_wait3A_76 = arith.constant 0 : i32
        %dma_wait3A_77 = arith.constant 0 : i32
        %dma_wait3A_78 = tpu.memref_slice %arg2[%shift_right_logical3A_3, %dma_wait3A_76, %dma_wait3A_77] : memref<3x10475x1024xf32, #tpu.memory_space<hbm>> -> memref<1x10475x1024xf32, #tpu.memory_space<hbm>>
        %dma_wait3A_79 = tpu.memref_squeeze %dma_wait3A_78 : memref<1x10475x1024xf32, #tpu.memory_space<hbm>> -> memref<10475x1024xf32, #tpu.memory_space<hbm>>
        %dma_wait3A_80 = arith.constant 0 : i32
        %dma_wait3A_81 = arith.constant 512 : i32
        %dma_wait3A_82 = tpu.memref_slice %dma_wait3A_79[%dma_wait3A_80, %dma_wait3A_81] : memref<10475x1024xf32, #tpu.memory_space<hbm>> -> memref<10475x512xf32, #tpu.memory_space<hbm>>
        tpu.wait_indirect_dma semaphore(%arg8 : memref<!tpu.dma_semaphore, #tpu.memory_space<semaphore_mem>>) src(%dma_wait3A_82 : memref<10475x512xf32, #tpu.memory_space<hbm>>) dst(%dma_wait3A_74 : memref<8x512xf32, #tpu.memory_space<vmem>>)
        %dma_start3A_83 = arith.constant 0 : i32
        %dma_start3A_84 = arith.constant 512 : i32
        %dma_start3A_85 = tpu.memref_slice %arg6[%dma_start3A_83, %dma_start3A_84] : memref<8x1024xf32, #tpu.memory_space<vmem>> -> memref<5x512xf32, #tpu.memory_space<vmem>>
        %dma_start3A_86 = arith.constant 0 : i32
        %dma_start3A_87 = arith.constant 0 : i32
        %dma_start3A_88 = tpu.memref_slice %arg4[%shift_right_logical3A_3, %dma_start3A_86, %dma_start3A_87] : memref<3x21x1024xf32, #tpu.memory_space<hbm>> -> memref<1x21x1024xf32, #tpu.memory_space<hbm>>
        %dma_start3A_89 = tpu.memref_squeeze %dma_start3A_88 : memref<1x21x1024xf32, #tpu.memory_space<hbm>> -> memref<21x1024xf32, #tpu.memory_space<hbm>>
        %dma_start3A_90 = arith.constant 16 : i32
        %dma_start3A_91 = arith.constant 512 : i32
        %dma_start3A_92 = tpu.memref_slice %dma_start3A_89[%dma_start3A_90, %dma_start3A_91] : memref<21x1024xf32, #tpu.memory_space<hbm>> -> memref<5x512xf32, #tpu.memory_space<hbm>>
        %dma_start3A_93 = arith.constant 0 : i32
        %dma_start3A_94 = arith.constant 0 : i32
        %dma_start3A_95 = tpu.memref_slice %arg4[%shift_right_logical3A_3, %dma_start3A_93, %dma_start3A_94] : memref<3x21x1024xf32, #tpu.memory_space<hbm>> -> memref<1x21x1024xf32, #tpu.memory_space<hbm>>
        %dma_start3A_96 = tpu.memref_squeeze %dma_start3A_95 : memref<1x21x1024xf32, #tpu.memory_space<hbm>> -> memref<21x1024xf32, #tpu.memory_space<hbm>>
        %dma_start3A_97 = arith.constant 16 : i32
        %dma_start3A_98 = arith.constant 512 : i32
        %dma_start3A_99 = tpu.memref_slice %dma_start3A_96[%dma_start3A_97, %dma_start3A_98] : memref<21x1024xf32, #tpu.memory_space<hbm>> -> memref<5x512xf32, #tpu.memory_space<hbm>>
        %dma_start3A_100 = arith.constant 0 : i32
        %dma_start3A_101 = arith.constant 512 : i32
        %dma_start3A_102 = tpu.memref_slice %arg6[%dma_start3A_100, %dma_start3A_101] : memref<8x1024xf32, #tpu.memory_space<vmem>> -> memref<5x512xf32, #tpu.memory_space<vmem>>
        tpu.enqueue_dma source(%dma_start3A_102 : memref<5x512xf32, #tpu.memory_space<vmem>>) target(%dma_start3A_99 : memref<5x512xf32, #tpu.memory_space<hbm>>) target_semaphore(%arg9 : memref<!tpu.dma_semaphore, #tpu.memory_space<semaphore_mem>>)
        %dma_wait3A_103 = arith.constant 0 : i32
        %dma_wait3A_104 = arith.constant 0 : i32
        %dma_wait3A_105 = tpu.memref_slice %arg6[%dma_wait3A_103, %dma_wait3A_104] : memref<8x1024xf32, #tpu.memory_space<vmem>> -> memref<5x512xf32, #tpu.memory_space<vmem>>
        %dma_wait3A_106 = arith.constant 0 : i32
        %dma_wait3A_107 = arith.constant 0 : i32
        %dma_wait3A_108 = tpu.memref_slice %arg4[%shift_right_logical3A_3, %dma_wait3A_106, %dma_wait3A_107] : memref<3x21x1024xf32, #tpu.memory_space<hbm>> -> memref<1x21x1024xf32, #tpu.memory_space<hbm>>
        %dma_wait3A_109 = tpu.memref_squeeze %dma_wait3A_108 : memref<1x21x1024xf32, #tpu.memory_space<hbm>> -> memref<21x1024xf32, #tpu.memory_space<hbm>>
        %dma_wait3A_110 = arith.constant 16 : i32
        %dma_wait3A_111 = arith.constant 0 : i32
        %dma_wait3A_112 = tpu.memref_slice %dma_wait3A_109[%dma_wait3A_110, %dma_wait3A_111] : memref<21x1024xf32, #tpu.memory_space<hbm>> -> memref<5x512xf32, #tpu.memory_space<hbm>>
        %dma_wait3A_113 = arith.constant 0 : i32
        %dma_wait3A_114 = arith.constant 0 : i32
        %dma_wait3A_115 = tpu.memref_slice %arg4[%shift_right_logical3A_3, %dma_wait3A_113, %dma_wait3A_114] : memref<3x21x1024xf32, #tpu.memory_space<hbm>> -> memref<1x21x1024xf32, #tpu.memory_space<hbm>>
        %dma_wait3A_116 = tpu.memref_squeeze %dma_wait3A_115 : memref<1x21x1024xf32, #tpu.memory_space<hbm>> -> memref<21x1024xf32, #tpu.memory_space<hbm>>
        %dma_wait3A_117 = arith.constant 16 : i32
        %dma_wait3A_118 = arith.constant 0 : i32
        %dma_wait3A_119 = tpu.memref_slice %dma_wait3A_116[%dma_wait3A_117, %dma_wait3A_118] : memref<21x1024xf32, #tpu.memory_space<hbm>> -> memref<5x512xf32, #tpu.memory_space<hbm>>
        %dma_wait3A_120 = arith.constant 0 : i32
        %dma_wait3A_121 = arith.constant 0 : i32
        %dma_wait3A_122 = tpu.memref_slice %arg6[%dma_wait3A_120, %dma_wait3A_121] : memref<8x1024xf32, #tpu.memory_space<vmem>> -> memref<5x512xf32, #tpu.memory_space<vmem>>
        tpu.wait_dma2 semaphore(%arg9 : memref<!tpu.dma_semaphore, #tpu.memory_space<semaphore_mem>>) src(%dma_wait3A_122 : memref<5x512xf32, #tpu.memory_space<vmem>>) dst(%dma_wait3A_119 : memref<5x512xf32, #tpu.memory_space<hbm>>)
        %dma_wait3A_123 = arith.constant 0 : i32
        %dma_wait3A_124 = arith.constant 512 : i32
        %dma_wait3A_125 = tpu.memref_slice %arg6[%dma_wait3A_123, %dma_wait3A_124] : memref<8x1024xf32, #tpu.memory_space<vmem>> -> memref<5x512xf32, #tpu.memory_space<vmem>>
        %dma_wait3A_126 = arith.constant 0 : i32
        %dma_wait3A_127 = arith.constant 0 : i32
        %dma_wait3A_128 = tpu.memref_slice %arg4[%shift_right_logical3A_3, %dma_wait3A_126, %dma_wait3A_127] : memref<3x21x1024xf32, #tpu.memory_space<hbm>> -> memref<1x21x1024xf32, #tpu.memory_space<hbm>>
        %dma_wait3A_129 = tpu.memref_squeeze %dma_wait3A_128 : memref<1x21x1024xf32, #tpu.memory_space<hbm>> -> memref<21x1024xf32, #tpu.memory_space<hbm>>
        %dma_wait3A_130 = arith.constant 16 : i32
        %dma_wait3A_131 = arith.constant 512 : i32
        %dma_wait3A_132 = tpu.memref_slice %dma_wait3A_129[%dma_wait3A_130, %dma_wait3A_131] : memref<21x1024xf32, #tpu.memory_space<hbm>> -> memref<5x512xf32, #tpu.memory_space<hbm>>
        %dma_wait3A_133 = arith.constant 0 : i32
        %dma_wait3A_134 = arith.constant 0 : i32
        %dma_wait3A_135 = tpu.memref_slice %arg4[%shift_right_logical3A_3, %dma_wait3A_133, %dma_wait3A_134] : memref<3x21x1024xf32, #tpu.memory_space<hbm>> -> memref<1x21x1024xf32, #tpu.memory_space<hbm>>
        %dma_wait3A_136 = tpu.memref_squeeze %dma_wait3A_135 : memref<1x21x1024xf32, #tpu.memory_space<hbm>> -> memref<21x1024xf32, #tpu.memory_space<hbm>>
        %dma_wait3A_137 = arith.constant 16 : i32
        %dma_wait3A_138 = arith.constant 512 : i32
        %dma_wait3A_139 = tpu.memref_slice %dma_wait3A_136[%dma_wait3A_137, %dma_wait3A_138] : memref<21x1024xf32, #tpu.memory_space<hbm>> -> memref<5x512xf32, #tpu.memory_space<hbm>>
        %dma_wait3A_140 = arith.constant 0 : i32
        %dma_wait3A_141 = arith.constant 512 : i32
        %dma_wait3A_142 = tpu.memref_slice %arg6[%dma_wait3A_140, %dma_wait3A_141] : memref<8x1024xf32, #tpu.memory_space<vmem>> -> memref<5x512xf32, #tpu.memory_space<vmem>>
        tpu.wait_dma2 semaphore(%arg9 : memref<!tpu.dma_semaphore, #tpu.memory_space<semaphore_mem>>) src(%dma_wait3A_142 : memref<5x512xf32, #tpu.memory_space<vmem>>) dst(%dma_wait3A_139 : memref<5x512xf32, #tpu.memory_space<hbm>>)
      } else {
      }
    } else {
    }
    return
  }
}

</mosaic_0001>

<sc_bundles>
// kernel: kernel.3.cloned.1.call-start
scs
__scs_entry_jumppad:
0x0: {  	(pc) =	sbr.rel $0x88, $3  }
0x1: {  	(tag) =	ssettag $0x0;
	lr =	simm.s32 $0x1  }
0x2: {  	[smem:$0x3F9F] =	sst lr;
	_ =	strace $0xD0000000  }
0x3: {  	_ = 	snop  }
0x4: {  	_ = 	snop  }
0x5: {  	_ = 	snop  }
0x6: {  	_ = 	snop  }
0x7: {  	_ = 	snop  }
__scs_overlays_trampoline_lowered:
0x8: {  	[smem:$0x3FAE] =	sst s0  }
0x9: {  	[smem:$0x3FAF] =	sst s1  }
0xa: {  	[smem:$0x3FB0] =	sst s2  }
0xb: {  	[smem:$0x3FB1] =	sst s3  }
0xc: {  	[smem:$0x3FB2] =	sst s4  }
0xd: {  	[smem:$0x3FB3] =	sst s5  }
0xe: {  	[smem:$0x3FB4] =	sst s6  }
0xf: {  	[smem:$0x3FB5] =	sst s7  }
0x10: {  	[smem:$0x3FB6] =	sst s8  }
0x11: {  	[smem:$0x3FB7] =	sst s9;
	s0 =	simm.s32 @!p0 $0x0  }
0x12: {  	s1 =	sld [smem:$0x3F9D];
	s0 =	simm.s32 @p0 $0x1  }
0x13: {  	[smem:$0x3FB8] =	sst s0;
	s0 =	simm.s32 @!p1 $0x0  }
0x14: {  	s2 =	sld [smem:$0x3F9C];
	s0 =	simm.s32 @p1 $0x1  }
0x15: {  	[smem:$0x3FB9] =	sst s0;
	s0 =	simm.s32 @!p2 $0x0  }
0x16: {  	s3 =	sld [smem:$0x3FDB];
	s0 =	simm.s32 @p2 $0x1  }
0x17: {  	s4 =	simm.s32 $0x1BF5;
	[smem:$0x3FBB] =	sst s0  }
0x18: {  	s0 =	sld [smem:$0x3F9E];
	_ =	swait.ge [sflag:s4], $0x0  }
0x19: {  	s7 =	sld [smem:$0x3F9F]  }
0x1a: {  	s8 =	sadd.s32 $0xFFFFE003, lr  }
0x1b: {  	s9 =	sadd.s32 $0xFFFFFEF7, lr;
	s5 =	simm.s32 $0xFFFFFFFF;
	p2 =	slt.u32 s8, $0xFFFFF086  }
0x1c: {  	p1 =	slt.u32 s9, $0xF7A;
	s5 =	simm.s32 @!p2 $0x0  }
0x1d: {  	s5 =	simm.s32 @p1 $0x1;
	p0 =	seq.s32 s7, s2  }
0x1e: {  	s7 =	smul.u32 @!p0 $0xF7A, s2;
	p2 =	seq.s32 @!p0 s5, $0x0  }
0x1f: {  	s9 =	smul.u32 $0xF7A, s1;
	s8 =	simm.s32 @!p0 $0x1BF5;
	p2 =	por !p2, p0  }
0x20: {  	[sflag:s8] =	ssyncset.s32 @!p0 $0xFFFFF086;
	s6 =	sadd.s32 @!p0 s3, s7;
	s7 =	simm.s32 @!p0 $0x108  }
0x21: {  	s3 =	sadd.s32 s3, s9;
	s6 =	sadd.s32 @!p0 $0x88, s6;
	s7 =	simm.s32 @p2 $0x1082  }
0x22: {  	[simem:s7], [sflag:s8] =	dma.local @!p0 [hbm:s6], $0xF7A  }
0x23: {  	s9 =	sor.u32 $0xD0000000, s2;
	s6 =	simm.s32 $0x108;
	_ =	swait.ge @!p0 [sflag:s8], $0x0  }
0x24: {  	s3 =	sadd.s32 $0x88, s3;
	s6 =	simm.s32 @!p1 $0x1082;
	[sflag:s4] =	ssyncset.s32 $0xFFFFF086  }
0x25: {  	[simem:s6], [sflag:s4] =	dma.local [hbm:s3], $0xF7A  }
0x26: {  	[smem:$0x3F9F] =	sst s1;
	(tag) =	ssettag s2;
	_ =	strace s9  }
0x27: {  	s1 =	sld [smem:$0x3FAF]  }
0x28: {  	s2 =	sld [smem:$0x3FB0]  }
0x29: {  	s4 =	sld [smem:$0x3FB2]  }
0x2a: {  	p0 =	seq.s32 s5, $0x0;
	s5 =	sld [smem:$0x3FB3]  }
0x2b: {  	s6 =	sld [smem:$0x3FB4]  }
0x2c: {  	s7 =	sld [smem:$0x3FB5]  }
0x2d: {  	s3 =	simm.s32 $0x108;
	s8 =	sld [smem:$0x3FB6]  }
0x2e: {  	s3 =	simm.s32 @!p0 $0x1082;
	s9 =	sld [smem:$0x3FB7]  }
0x2f: {  	lr =	sadd.s32 s0, s3;
	s0 =	sld [smem:$0x3FAE]  }
0x30: {  	s3 =	sld [smem:$0x3FB1]  }
0x31: {  	[smem:$0x3FBA] =	sst s10  }
0x32: {  	s10 =	sld [smem:$0x3FB8];
	_ =	sdelay $0x3  }
0x33: {  	p0 =	seq.s32 s10, $0x1;
	s10 =	sld [smem:$0x3FBA];
	_ =	sdelay $0x3  }
0x34: {  	[smem:$0x3FBA] =	sst s10  }
0x35: {  	s10 =	sld [smem:$0x3FB9];
	_ =	sdelay $0x3  }
0x36: {  	p1 =	seq.s32 s10, $0x1;
	s10 =	sld [smem:$0x3FBA];
	_ =	sdelay $0x3  }
0x37: {  	[smem:$0x3FBA] =	sst s10  }
0x38: {  	s10 =	sld [smem:$0x3FBB]  }
0x39: {  	_ = 	snop;
	(pc) =	sbr.ind lr, $3  }
0x3a: {  	_ = 	snop  }
0x3b: {  	_ = 	snop  }
0x3c: {  	p2 =	seq.s32 s10, $0x1;
	s10 =	sld [smem:$0x3FBA]  }
0x3d: {  	_ =	shalt  }
0x3e: {  	_ =	shalt  }
0x3f: {  	_ =	shalt  }
0x40: {  	_ =	shalt  }
0x41: {  	_ =	shalt  }
0x42: {  	_ =	shalt  }
0x43: {  	_ =	shalt  }
0x44: {  	_ =	shalt  }
0x45: {  	_ =	shalt  }
0x46: {  	_ =	shalt  }
0x47: {  	_ =	shalt  }
0x48: {  	_ =	shalt  }
0x49: {  	_ =	shalt  }
0x4a: {  	_ =	shalt  }
0x4b: {  	_ =	shalt  }
0x4c: {  	_ =	shalt  }
0x4d: {  	_ =	shalt  }
0x4e: {  	_ =	shalt  }
0x4f: {  	_ =	shalt  }
0x50: {  	_ =	shalt  }
0x51: {  	_ =	shalt  }
0x52: {  	_ =	shalt  }
0x53: {  	_ =	shalt  }
0x54: {  	_ =	shalt  }
0x55: {  	_ =	shalt  }
0x56: {  	_ =	shalt  }
0x57: {  	_ =	shalt  }
0x58: {  	_ =	shalt  }
0x59: {  	_ =	shalt  }
0x5a: {  	_ =	shalt  }
0x5b: {  	_ =	shalt  }
0x5c: {  	_ =	shalt  }
0x5d: {  	_ =	shalt  }
0x5e: {  	_ =	shalt  }
0x5f: {  	_ =	shalt  }
0x60: {  	_ =	shalt  }
0x61: {  	_ =	shalt  }
0x62: {  	_ =	shalt  }
0x63: {  	_ =	shalt  }
0x64: {  	_ =	shalt  }
0x65: {  	_ =	shalt  }
0x66: {  	_ =	shalt  }
0x67: {  	_ =	shalt  }
0x68: {  	_ =	shalt  }
0x69: {  	_ =	shalt  }
0x6a: {  	_ =	shalt  }
0x6b: {  	_ =	shalt  }
0x6c: {  	_ =	shalt  }
0x6d: {  	_ =	shalt  }
0x6e: {  	_ =	shalt  }
0x6f: {  	_ =	shalt  }
0x70: {  	_ =	shalt  }
0x71: {  	_ =	shalt  }
0x72: {  	_ =	shalt  }
0x73: {  	_ =	shalt  }
0x74: {  	_ =	shalt  }
0x75: {  	_ =	shalt  }
0x76: {  	_ =	shalt  }
0x77: {  	_ =	shalt  }
0x78: {  	_ =	shalt  }
0x79: {  	_ =	shalt  }
0x7a: {  	_ =	shalt  }
0x7b: {  	_ =	shalt  }
0x7c: {  	_ =	shalt  }
0x7d: {  	_ =	shalt  }
0x7e: {  	_ =	shalt  }
0x7f: {  	_ =	shalt  }
0x80: {  	_ =	shalt  }
0x81: {  	_ =	shalt  }
0x82: {  	_ =	shalt  }
0x83: {  	_ =	shalt  }
0x84: {  	_ =	shalt  }
0x85: {  	_ =	shalt  }
0x86: {  	_ =	shalt  }
0x87: {  	_ =	shalt  }
.Lfunc_end0:
.L_simem_size_0:
called_computation_lowered:
.L_overlay_start_0:
0x88: {  	s0 =	sld [smem:$0x3FD9]  }
0x89: {  	s1 =	sld [smem:$0x3FFE];
	_ =	sdelay $0x3  }
0x8a: {  	s0 =	sadd.s32 s1, s0  }
0x8b: {  	[smem:$0x3FC6] =	sst s0  }
0x8c: {  	_ = 	snop  }
0x8d: {  	s0 =	sld [smem:$0x3FC9]  }
0x8e: {  	s17 =	sld [smem:$0x3FC8]  }
0x8f: {  	s2 =	sld [smem:$0x3FD0];
	(tm) =	ssettm $0x1  }
0x90: {  	s3 =	sld [smem:$0x3FFB];
	_ =	sdelay $0x3  }
0x91: {  	_ =	strace s3  }
0x92: {  	s3 =	sld [smem:$0x3FFC];
	_ =	sdelay $0x3  }
0x93: {  	_ =	strace s3  }
0x94: {  	s3 =	sld [smem:$0x3FFD];
	_ =	sdelay $0x3  }
0x95: {  	_ =	strace s3  }
0x96: {  	_ =	strace $0x8FFFFFFF  }
0x97: {  	s18 =	sld [smem:$0x3FDB];
	_ =	sdelay $0x1  }
0x98: {  	s4 =	simm.s32 $_scs_section_size  }
0x99: {  	s5 =	simm.s32 $_size__tile_overlayer_lowered;
	s6 =	simm.s32 $_tile_overlayer_lowered  }
0x9a: {  	s21 =	simm.s32 $0x1BFF;
	s20 =	sshll.u32 s6, $0x1;
	s3 =	sadd.s32 s4, s18  }
0x9b: {  	s7 =	simm.s32 $0x0;
	s19 =	sshll.u32 s5, $0x1;
	s5 =	sadd.s32 s20, s3  }
0x9c: {  	[timem:s7], [sflag:s21] =	dma.local [hbm:s5], s19  }
0x9d: {  	_ =	swait.ge [sflag:s21], s19  }
0x9e: {  	s4 =	ssub.s32 $0x0, s19;
	[sflag:s21] =	ssyncset.done $0x0  }
0x9f: {  	[sflag:s21] =	ssyncadd.s32 s4;
	_ =	sdelay $0x1  }
0xa0: {  	s22 =	simm.s32 $0x1B8B  }
0xa1: {  	_ =	swait.ge [sflag:s22], $0x1  }
0xa2: {  	[sflag:s22] =	ssyncset.done $0x0  }
0xa3: {  	s23 =	simm.s32 $0x1B8E;
	[sflag:s22] =	ssyncadd.s32 $0xFFFFFFFF  }
0xa4: {  	s24 =	simm.s32 $execute0_lowered;
	[smem:$0x3FD2] =	sst s23  }
0xa5: {  	s4 =	sshll.u32 s24, $0x1;
	_ =	strace $0x80000046;
	[dreg:$0x1] =	wrdreg $0xFFFFFFFF  }
0xa6: {  	s25 =	simm.s32 $_size_execute0_lowered;
	s3 =	sadd.s32 s3, s4;
	[dreg:$0x0] =	wrdreg $0x0  }
0xa7: {  	s4 =	sshll.u32 s25, $0x1;
	[dreg:$0x2] =	wrdreg s3  }
0xa8: {  	[dreg:$0x3] =	wrdreg s4  }
0xa9: {  	[dreg:$0x4] =	wrdreg $0xC0  }
0xaa: {  	_ =	task [dreg:s7], $0x5FFFF  }
0xab: {  	[dreg:$0x1] =	wrdreg $0xFFFFFFFF  }
0xac: {  	[dreg:$0x0] =	wrdreg $0x60  }
0xad: {  	[dreg:$0x2] =	wrdreg s0  }
0xae: {  	[dreg:$0x3] =	wrdreg s17  }
0xaf: {  	[dreg:$0x4] =	wrdreg s2  }
0xb0: {  	[dreg:$0x5] =	wrdreg $0x9  }
0xb1: {  	_ =	task.clear_ibuf [dreg:s7], $0x6FFFF;
	_ =	strace $0x90000046  }
0xb2: {  	s26 =	simm.s32 $0x9;
	_ =	strace $0x80000048  }
0xb3: {  	_ =	swait.ge [sflag:s26], $0x1  }
0xb4: {  	[sflag:s26] =	ssyncadd.s32 $0xFFFFFFFF  }
0xb5: {  	_ =	strace $0x90000048  }
0xb6: {  	_ =	sfence  }
0xb7: {  	s28 =	sld [smem:$0x0];
	_ =	sdelay $0x1  }
0xb8: {  	s29 =	srdreg.scid  }
0xb9: {  	s30 =	sshll.u32 s29, $0xD;
	s31 =	sshrl.u32 s29, $0x2  }
0xba: {  	s1 =	sand.u32 $0x1, s29;
	s2 =	sand.u32 $0x4000, s30;
	s0 =	sadd.s32 s31, s28  }
0xbb: {  	s1 =	sor.u32 s2, s1;
	s0 =	sshll.u32 s0, $0x11  }
0xbc: {  	s0 =	sor.u32 s0, s1  }
0xbd: {  	s0 =	sadd.s32 $0x8F2B, s0  }
0xbe: {  	[sflag:s0] =	ssyncadd.remote.s32 $0x1  }
0xbf: {  	_ =	sfence.sel $0xFFFF  }
0xc0: {  	[dreg:$0x0] =	wrdreg $0xFFFFFFFF;
	(pc) =	sbr.abs _section_cstart, $3  }
0xc1: {  	[dreg:$0x1] =	wrdreg $0xFFFFFFFF  }
0xc2: {  	_ =	task.clear_ibuf [dreg:s7], $0x2FFFF;
	_ =	strace $0x9FFFFFFF  }
0xc3: {  	(tm) =	ssettm $0x7FFFFFFF  }
tec
execute0_lowered:
.L_overlay_start_1:
0x0: {  	(tag) =	ssettag $0x1  }
0x1: {  	s1 =	stileid.u32  }
0x2: {  	p0 =	sgt.u32 s1, $0x8  }
.Ltmp0:
0x3: {  	s2 =	rddreg [dreg:$0x0];
	(pc) =	sbr.rel @p0 .LBB2_5-.Ltmp0, $4  }
0x4: {  	s3 =	rddreg [dreg:$0x1]  }
0x5: {  	s6 =	rddreg [dreg:$0x2];
	s4 =	simm.s32 $0x0  }
0x6: {  	[smem:$0x7FF] =	sst s4  }
0x7: {  	s0 =	rddreg [dreg:$0x3];
	_ =	strace $0x80000047  }
0x8: {  	s5 =	smul.u32 $0x5556, s1;
	_ =	sdelay $0x1  }
0x9: {  	v0 =	vimm.s32 $0x0;
	s7 =	sshrl.u32 s5, $0x10  }
0xa: {  	[tilespmem:$0x8] =	vst v0;
	s5 =	smul.u32 $0xFFFFFFFD, s7  }
0xb: {  	[tilespmem:s4], [sflag:$0x4] =	stream.linear.gather [hbm4b:s3+s4], $0x15, $0x38;
	[tilespmem:$0x2080] =	vst v63  }
0xc: {  	s5 =	sadd.s32 s1, s5  }
0xd: {  	p0 =	sgt.s32 s5, $0x1  }
.Ltmp1:
0xe: {  	_ = 	snop;
	(pc) =	sbr.rel @p0 .LBB2_3-.Ltmp1, $4  }
0xf: {  	s8 =	simm.s32 $0x4;
	s30 =	smul.u32 $0x147800, s7  }
0x10: {  	s7 =	smul.u32 $0xC00, s7;
	_ =	swait.ge [sflag:s8], $0x15  }
0x11: {  	[sflag:s8] =	ssyncset.done $0x0;
	s3 =	sadd.s32 s2, s30;
	s31 =	sshll.u32 s5, $0x5  }
0x12: {  	s2 =	sadd.s32 s6, s7;
	[sflag:s8] =	ssyncadd.s32 $0xFFFFFFEB;
	s4 =	sshra.s32 s31, $0x2  }
0x13: {  	v0 =	vld.msk [tilespmem:s4+$0x0], $0xff;
	_ =	sdelay $0x4  }
0x14: {  	v1 =	vshll.u32 v0, $0x3  }
0x15: {  	v2 =	vlaneseq.u32;
	v0 =	vand.u32 $0x7, v0;
	v1 =	vand.u32 $0xFFFFFFC0, v1  }
0x16: {  	v63 =	vand.u32 $0x7, v2;
	v2 =	vshrl.u32 v2, $0x3;
	v0 =	vor.u32 v0, v1  }
0x17: {  	v2 =	vmul.u32 $0x8, v2;
	v0 =	vperm.xlane v0, v63;
	_ =	sdelay $0x1  }
0x18: {  	v0 =	vadd.s32 v2, v0;
	_ =	sdelay $0x3  }
0x19: {  	vm0 =	vmmov $0xffff;
	s6 =	simm.s32 $0x0;
	s7 =	simm.s32 $0x80  }
0x1a: {  	[tilespmem:s7], [sflag:$0x1] =	stream.indirect_vreg.gather [hbm4b:s3+s6], $0x80, v0, vm0, $0xb8;
	[tilespmem:$0x2080] =	vst v63  }
0x1b: {  	s8 =	sadd.s32 $0x100, s3;
	s9 =	simm.s32 $0x880  }
0x1c: {  	[tilespmem:s9], [sflag:$0x1] =	stream.indirect_vreg.gather [hbm4b:s8+s6], $0x80, v0, vm0, $0xb8;
	[tilespmem:$0x2080] =	vst v63  }
0x1d: {  	v0 =	vld.msk [tilespmem:s4+$0x0], $0xff;
	_ =	sdelay $0x4  }
0x1e: {  	v3 =	vshll.u32 v0, $0x3  }
0x1f: {  	v0 =	vand.u32 $0x7, v0;
	v3 =	vand.u32 $0xFFFFFFC0, v3  }
0x20: {  	v0 =	vor.u32 v0, v3  }
0x21: {  	v0 =	vperm.xlane v0, v63;
	_ =	sdelay $0x1  }
0x22: {  	v0 =	vadd.s32 v2, v0;
	_ =	sdelay $0x3  }
0x23: {  	s21 =	sadd.s32 $0x200, s3;
	s22 =	simm.s32 $0x1080  }
0x24: {  	[tilespmem:s22], [sflag:$0x2] =	stream.indirect_vreg.gather [hbm4b:s21+s6], $0x80, v0, vm0, $0xb8;
	[tilespmem:$0x2080] =	vst v63  }
0x25: {  	s23 =	sadd.s32 $0x300, s3;
	s24 =	simm.s32 $0x1880;
	s25 =	simm.s32 $0x1  }
0x26: {  	[tilespmem:s24], [sflag:$0x2] =	stream.indirect_vreg.gather [hbm4b:s23+s6], $0x80, v0, vm0, $0xb8;
	[tilespmem:$0x2080] =	vst v63  }
0x27: {  	s26 =	sshll.u32 s5, $0xA;
	_ =	swait.ge [sflag:s25], $0x1000  }
0x28: {  	s4 =	sand.u32 $0x1FFFFC00, s26;
	[sflag:s25] =	ssyncset.done $0x0  }
0x29: {  	s29 =	simm.s32 $0x2;
	s28 =	sadd.s32 s4, s2;
	[sflag:s25] =	ssyncadd.s32 $0xFFFFF000  }
0x2a: {  	[hbm4b:s28+s6] =	stream.linear.scatter [tilespmem:s7], [sflag:$0x3], $0x1000, $0x38;
	[tilespmem:$0x2080] =	vst v63  }
0x2b: {  	_ =	swait.ge [sflag:s29], $0x1000  }
0x2c: {  	s4 =	sor.u32 $0x200, s4;
	[sflag:s29] =	ssyncset.done $0x0  }
0x2d: {  	s31 =	simm.s32 $0x3;
	s30 =	sadd.s32 s2, s4;
	[sflag:s29] =	ssyncadd.s32 $0xFFFFF000  }
0x2e: {  	[hbm4b:s30+s6] =	stream.linear.scatter [tilespmem:s22], [sflag:$0x3], $0x1000, $0x38;
	[tilespmem:$0x2080] =	vst v63  }
0x2f: {  	_ =	swait.ge [sflag:s31], $0x1000  }
.Ltmp2:
0x30: {  	[sflag:s31] =	ssyncset.done $0x0;
	(pc) =	sbr.rel .LBB2_5-.Ltmp2, $4  }
0x31: {  	[sflag:s31] =	ssyncadd.s32 $0xFFFFF000  }
0x32: {  	_ =	swait.ge [sflag:s31], $0x1000  }
0x33: {  	[sflag:s31] =	ssyncset.done $0x0  }
0x34: {  	[sflag:s31] =	ssyncadd.s32 $0xFFFFF000  }
.LBB2_3:
0x35: {  	p0 =	sne.s32 s5, $0x2  }
.Ltmp3:
0x36: {  	_ = 	snop;
	(pc) =	sbr.rel @p0 .LBB2_5-.Ltmp3, $1  }
0x37: {  	_ =	sdelay $0x3  }
0x38: {  	v0 =	vld.msk [tilespmem:s4+$0x0], $0xff;
	_ =	sdelay $0x4  }
0x39: {  	v1 =	vshll.u32 v0, $0x3  }
0x3a: {  	v2 =	vlaneseq.u32;
	v0 =	vand.u32 $0x7, v0;
	v1 =	vand.u32 $0xFFFFFFC0, v1  }
0x3b: {  	v63 =	vand.u32 $0x7, v2;
	v2 =	vshrl.u32 v2, $0x3;
	v0 =	vor.u32 v0, v1  }
0x3c: {  	v2 =	vmul.u32 $0x8, v2;
	v0 =	vperm.xlane v0, v63;
	_ =	sdelay $0x1  }
0x3d: {  	v0 =	vadd.s32 v2, v0;
	_ =	sdelay $0x3  }
0x3e: {  	vm0 =	vmmov $0xffff;
	s5 =	simm.s32 $0x0;
	s6 =	simm.s32 $0x80  }
0x3f: {  	[tilespmem:s6], [sflag:$0x1] =	stream.indirect_vreg.gather [hbm4b:s3+s5], $0x80, v0, vm0, $0xb8;
	[tilespmem:$0x2080] =	vst v63  }
0x40: {  	s7 =	sadd.s32 $0x100, s3;
	s8 =	simm.s32 $0x880  }
0x41: {  	[tilespmem:s8], [sflag:$0x1] =	stream.indirect_vreg.gather [hbm4b:s7+s5], $0x80, v0, vm0, $0xb8;
	[tilespmem:$0x2080] =	vst v63  }
0x42: {  	v0 =	vld.msk [tilespmem:s4+$0x0], $0xff;
	_ =	sdelay $0x4  }
0x43: {  	v3 =	vshll.u32 v0, $0x3  }
0x44: {  	v0 =	vand.u32 $0x7, v0;
	v3 =	vand.u32 $0xFFFFFFC0, v3  }
0x45: {  	v0 =	vor.u32 v0, v3  }
0x46: {  	v0 =	vperm.xlane v0, v63;
	_ =	sdelay $0x1  }
0x47: {  	v0 =	vadd.s32 v2, v0;
	_ =	sdelay $0x3  }
0x48: {  	s12 =	sadd.s32 $0x200, s3;
	s13 =	simm.s32 $0x1080  }
0x49: {  	[tilespmem:s13], [sflag:$0x2] =	stream.indirect_vreg.gather [hbm4b:s12+s5], $0x80, v0, vm0, $0xb8;
	[tilespmem:$0x2080] =	vst v63  }
0x4a: {  	s14 =	sadd.s32 $0x300, s3;
	s15 =	simm.s32 $0x1880;
	s16 =	simm.s32 $0x1  }
0x4b: {  	[tilespmem:s15], [sflag:$0x2] =	stream.indirect_vreg.gather [hbm4b:s14+s5], $0x80, v0, vm0, $0xb8;
	[tilespmem:$0x2080] =	vst v63  }
0x4c: {  	_ =	swait.ge [sflag:s16], $0x1000  }
0x4d: {  	[sflag:s16] =	ssyncset.done $0x0  }
0x4e: {  	s17 =	sadd.s32 $0x800, s2;
	[sflag:s16] =	ssyncadd.s32 $0xFFFFF000  }
0x4f: {  	[hbm4b:s17+s5] =	stream.linear.scatter [tilespmem:s6], [sflag:$0x3], $0x280, $0x38;
	[tilespmem:$0x2080] =	vst v63  }
0x50: {  	s18 =	sadd.s32 $0x880, s2;
	s19 =	simm.s32 $0x480  }
0x51: {  	[hbm4b:s18+s5] =	stream.linear.scatter [tilespmem:s19], [sflag:$0x3], $0x280, $0x38;
	[tilespmem:$0x2080] =	vst v63  }
0x52: {  	s20 =	sadd.s32 $0x900, s2  }
0x53: {  	[hbm4b:s20+s5] =	stream.linear.scatter [tilespmem:s8], [sflag:$0x3], $0x280, $0x38;
	[tilespmem:$0x2080] =	vst v63  }
0x54: {  	s21 =	sadd.s32 $0x980, s2;
	s22 =	simm.s32 $0xC80;
	s23 =	simm.s32 $0x2  }
0x55: {  	[hbm4b:s21+s5] =	stream.linear.scatter [tilespmem:s22], [sflag:$0x3], $0x280, $0x38;
	[tilespmem:$0x2080] =	vst v63  }
0x56: {  	_ =	swait.ge [sflag:s23], $0x1000  }
0x57: {  	[sflag:s23] =	ssyncset.done $0x0  }
0x58: {  	s24 =	sadd.s32 $0xA00, s2;
	[sflag:s23] =	ssyncadd.s32 $0xFFFFF000  }
0x59: {  	[hbm4b:s24+s5] =	stream.linear.scatter [tilespmem:s13], [sflag:$0x3], $0x280, $0x38;
	[tilespmem:$0x2080] =	vst v63  }
0x5a: {  	s25 =	sadd.s32 $0xA80, s2;
	s26 =	simm.s32 $0x1480  }
0x5b: {  	[hbm4b:s25+s5] =	stream.linear.scatter [tilespmem:s26], [sflag:$0x3], $0x280, $0x38;
	[tilespmem:$0x2080] =	vst v63  }
0x5c: {  	s28 =	sadd.s32 $0xB00, s2  }
0x5d: {  	[hbm4b:s28+s5] =	stream.linear.scatter [tilespmem:s15], [sflag:$0x3], $0x280, $0x38;
	[tilespmem:$0x2080] =	vst v63  }
0x5e: {  	s29 =	sadd.s32 $0xB80, s2;
	s30 =	simm.s32 $0x1C80;
	s31 =	simm.s32 $0x3  }
0x5f: {  	[hbm4b:s29+s5] =	stream.linear.scatter [tilespmem:s30], [sflag:$0x3], $0x280, $0x38;
	[tilespmem:$0x2080] =	vst v63  }
0x60: {  	_ =	swait.ge [sflag:s31], $0xA00  }
0x61: {  	[sflag:s31] =	ssyncset.done $0x0  }
0x62: {  	[sflag:s31] =	ssyncadd.s32 $0xFFFFF600  }
0x63: {  	_ =	swait.ge [sflag:s31], $0xA00  }
0x64: {  	[sflag:s31] =	ssyncset.done $0x0  }
0x65: {  	[sflag:s31] =	ssyncadd.s32 $0xFFFFF600  }
.LBB2_5:
0x66: {  	_ =	sfence.sel $0x180000  }
0x67: {  	[bflag:$0x0] =	sbarrier.arrive $0xFFFF  }
0x68: {  	p0 =	sne.s32 s1, $0x0;
	_ =	strace $0x90000047  }
0x69: {  	s0 =	sadd.s32 @!p0 $0x100000, s0;
	[bflag:$0x2] =	sbarrier.arrive $0xFFFF  }
0x6a: {  	[sflag:s0] =	ssyncadd.tile.s32 @!p0 $0x1;
	_ =	shalt  }
.Lfunc_end2:
_tile_overlayer_lowered:
.L_overlay_start_2:
0x6b: {  	(tag) =	ssettag $0x2  }
0x6c: {  	s0 =	rddreg [dreg:$0x0];
	s2 =	stileid.u32  }
0x6d: {  	s1 =	rddreg [dreg:$0x1];
	p0 =	sne.s32 s2, $0x0  }
0x6e: {  	s3 =	rddreg [dreg:$0x2];
	[bflag:$0x3] =	sbarrier.arrive $0xFFFF;
	s2 =	simm.s32 @!p0 $0x1C04  }
0x6f: {  	[timem:s3], [sflag:s2] =	dma.local @!p0 [hbm:s0], s1  }
0x70: {  	s0 =	simm.s32 @!p0 $0x4  }
0x71: {  	_ =	swait.ge @!p0 [sflag:s0], s1  }
0x72: {  	s1 =	ssub.s32 @!p0 $0x0, s1;
	[sflag:s0] =	ssyncset.done @!p0 $0x0  }
0x73: {  	[sflag:s0] =	ssyncadd.s32 @!p0 s1  }
0x74: {  	[bflag:$0x3] =	sbarrier.arrive $0xFFFF  }
0x75: {  	_ =	shalt  }

</sc_bundles>
